<compile_context>
chip_gen: v7x
topology: tpu7x:2x2x1
jax: 0.10.2.dev20260603
libtpu: 0.0.44.dev20260713+nightly
codegen_flags: <defaults>
</compile_context>

<pallas_src>
import functools

import jax
import jax.numpy as jnp
from jax import lax
from jax.experimental import pallas as pl
from jax.experimental.pallas import tpu as pltpu
from jax.experimental.pallas import tpu_sc as plsc

_NUM_CORES = 2
_NUM_SUBCORES = 16
_NUM_WORKERS = _NUM_CORES * _NUM_SUBCORES

_CHUNK = 512
_NBUF = 4

_STRIPE = 128
_ABLK = 16384


def _make_table_rowmajor(vocab: int, embed: int):
  blk = _ABLK
  pack = _STRIPE // embed

  def body(in_ref, out_ref):
    g = in_ref[...].reshape(_STRIPE, blk // pack)
    y = g.T
    perm = jnp.arange(_STRIPE, dtype=jnp.int32)
    perm = ((perm % embed) * pack + perm // embed)
    out_ref[...] = jnp.take_along_axis(
        y, jnp.broadcast_to(perm[None, :], y.shape), axis=1)

  n_blocks = pl.cdiv(vocab, blk)
  return pl.pallas_call(
      body,
      grid=(n_blocks,),
      in_specs=[pl.BlockSpec((embed, blk), lambda q: (0, q))],
      out_specs=pl.BlockSpec((blk // pack, _STRIPE), lambda q: (q, 0)),
      out_shape=jax.ShapeDtypeStruct((n_blocks * blk // pack, _STRIPE),
                                     jnp.float32),
  )


def _make_gather(num_rows: int, vocab: int, embed: int):
  assert num_rows % (_NUM_WORKERS * _CHUNK) == 0
  rows_per_worker = num_rows // _NUM_WORKERS
  n_chunks = rows_per_worker // _CHUNK
  ahead = _NBUF - 1
  assert n_chunks >= ahead

  mesh = plsc.VectorSubcoreMesh(
      core_axis_name="c", subcore_axis_name="s")

  @functools.partial(
      pl.kernel,
      out_type=jax.ShapeDtypeStruct((num_rows, _STRIPE), jnp.float32),
      mesh=mesh,
      scratch_types=[
          pltpu.VMEM((n_chunks, _CHUNK), jnp.int32),
          pltpu.VMEM((_NBUF, _CHUNK, embed), jnp.float32),
          pltpu.SemaphoreType.DMA((_NBUF,)),
          pltpu.SemaphoreType.DMA((_NBUF,)),
      ],
      compiler_params=pltpu.CompilerParams(use_tc_tiling_on_sc=False),
  )
  def gather_kernel(idx_hbm, table_hbm, out_hbm, idx_v, rows_v, gsem, osem):
    wid = lax.axis_index("s") * _NUM_CORES + lax.axis_index("c")
    base = wid * rows_per_worker
    pltpu.sync_copy(idx_hbm.at[wid], idx_v)

    def gather_copy(j, b):
      return pltpu.make_async_copy(
          table_hbm.at[idx_v.at[j]], rows_v.at[b], gsem.at[b])

    def out_copy(j, b):
      return pltpu.make_async_copy(
          rows_v.at[b],
          out_hbm.at[pl.ds(base + j * _CHUNK, _CHUNK), pl.ds(0, embed)],
          osem.at[b])

    for j in range(ahead):
      gather_copy(j, j).start()

    def step(j, carry):
      b = lax.rem(j, _NBUF)
      bp = lax.rem(j + _NBUF - 1, _NBUF)
      gather_copy(j, b).wait()

      @pl.when(j >= 1)
      def _():
        out_copy(j - 1, bp).wait()

      @pl.when(j + ahead < n_chunks)
      def _():
        gather_copy(j + ahead, bp).start()

      out_copy(j, b).start()
      return carry

    lax.fori_loop(0, n_chunks, step, 0)

    out_copy(n_chunks - 1, (n_chunks - 1) % _NBUF).wait()

  return gather_kernel


def _make_relayout(fields: int, batch: int, embed: int):
  bt_blk = 32
  rows_blk = bt_blk * 128
  pack = _STRIPE // embed

  def body(in_ref, out_ref):
    x = in_ref[...]
    y = x.T
    y = y.reshape(_STRIPE, bt_blk, 128)[:embed]
    y = y.reshape(embed // 8, 8, bt_blk, 128)
    out_ref[0] = jnp.transpose(y, (0, 2, 1, 3))

  n_q = batch // rows_blk
  return pl.pallas_call(
      body,
      grid=(fields, n_q),
      in_specs=[
          pl.BlockSpec((rows_blk, _STRIPE),
                       lambda f, q: (f * n_q + q, 0))
      ],
      out_specs=pl.BlockSpec(
          (1, embed // 8, bt_blk, 8, 128), lambda f, q: (f, 0, q, 0, 0)),
      out_shape=jax.ShapeDtypeStruct(
          (fields, embed // 8, batch // 128, 8, 128), jnp.float32),
  )


def kernel(x, table):
  batch, fields = x.shape
  vocab, embed = table.shape
  num_rows = batch * fields
  pack = _STRIPE // embed
  b4 = _ABLK // pack
  idx = x.T.astype(jnp.int32)
  q, r = jnp.divmod(idx, _ABLK)
  k, j = jnp.divmod(r, b4)
  idx = (q * b4 + j) * pack + k
  idx = idx.reshape(_NUM_WORKERS, num_rows // (_NUM_WORKERS * _CHUNK), _CHUNK)
  table_rm = _make_table_rowmajor(vocab, embed)(table.T)
  table_rm = table_rm.reshape(-1, embed)
  flat = _make_gather(num_rows, table_rm.shape[0], embed)(idx, table_rm)
  out5 = _make_relayout(fields, batch, embed)(flat)
  out5 = out5.transpose(2, 4, 0, 1, 3)
  return out5.reshape(batch, fields, embed)

# --- scband reference (transcript-rebuilt; emitter-appended) ---
"""Pipeline reference for scband-pytorch-embedding-78512002171288 (READ-ONLY COPY).

The authoritative reference and input builder live on the scoring server;
editing this copy changes nothing except your own understanding.
"""

import jax, jax.numpy as jnp
import numpy as np

VOCAB = 1000000
EMBED = 32
BATCH = 16384
FIELDS = 26

def setup_inputs(seed: int = 0) -> dict:
    key = jax.random.key(seed)
    k1, k2 = jax.random.split(key)
    x = jax.random.randint(k1, (BATCH, FIELDS), 0, VOCAB, dtype=jnp.int64 if jax.config.jax_enable_x64 else jnp.int32)
    table = jax.random.normal(k2, (VOCAB, EMBED), dtype=jnp.float32)
    return {"x": x, "table": table}

def reference(x, table):
    # nn.Embedding forward: gather rows of the embedding table by index
    output = jnp.take(table, x, axis=0)  # [BATCH, FIELDS, EMBED]
    return output

if __name__ == "__main__":
    import jax
    _d = setup_inputs()
    print(jax.jit(kernel)(*tuple(_d.values())))

</pallas_src>

<mosaic_0001>
#map = affine_map<(d0, d1) -> (0, 0, 0)>
#map1 = affine_map<(d0, d1) -> (0, 0)>
module attributes {stable_mosaic.version = 14 : i64} {
  func.func @gather_kernel(%arg0: i32, %arg1: i32, %arg2: memref<32x26x512xi32, #tpu.memory_space<hbm>>, %arg3: memref<1015808x32xf32, #tpu.memory_space<hbm>>, %arg4: memref<425984x128xf32, #tpu.memory_space<hbm>>, %arg5: memref<26x512xi32, #tpu.memory_space<vmem>>, %arg6: memref<4x512x32xf32, #tpu.memory_space<vmem>>, %arg7: memref<4x!tpu.dma_semaphore, #tpu.memory_space<semaphore_mem>>, %arg8: memref<4x!tpu.dma_semaphore, #tpu.memory_space<semaphore_mem>>) attributes {dimension_semantics = [#tpu.dimension_semantics<core_parallel>, #tpu.dimension_semantics<subcore_parallel>], iteration_bounds = array<i64: 2, 16>, scalar_prefetch = 0 : i64, scratch_operands = 4 : i64, tpu.core_type = #tpu.core_type<sc_vector_subcore>, window_params = [{transform_indices = #map}, {transform_indices = #map1}, {transform_indices = #map1}]} {
    %mul3A = arith.constant 2 : i32
    %mul3A_0 = arith.muli %arg1, %mul3A : i32
    %add3A = arith.addi %mul3A_0, %arg0 : i32
    %mul3A_1 = arith.constant 13312 : i32
    %mul3A_2 = arith.muli %add3A, %mul3A_1 : i32
    "tpu.region"() ({
      %run_scoped3A = tpu.sem_alloc : memref<!tpu.dma_semaphore, #tpu.memory_space<semaphore_mem>>
      %dma_start3A_69 = arith.constant 0 : i32
      %dma_start3A_70 = arith.constant 0 : i32
      %dma_start3A_71 = tpu.memref_slice %arg2[%add3A, %dma_start3A_69, %dma_start3A_70] : memref<32x26x512xi32, #tpu.memory_space<hbm>> -> memref<1x26x512xi32, #tpu.memory_space<hbm>>
      %dma_start3A_72 = tpu.memref_squeeze %dma_start3A_71 : memref<1x26x512xi32, #tpu.memory_space<hbm>> -> memref<26x512xi32, #tpu.memory_space<hbm>>
      %dma_start3A_73 = arith.constant 0 : i32
      %dma_start3A_74 = arith.constant 0 : i32
      %dma_start3A_75 = tpu.memref_slice %arg2[%add3A, %dma_start3A_73, %dma_start3A_74] : memref<32x26x512xi32, #tpu.memory_space<hbm>> -> memref<1x26x512xi32, #tpu.memory_space<hbm>>
      %dma_start3A_76 = tpu.memref_squeeze %dma_start3A_75 : memref<1x26x512xi32, #tpu.memory_space<hbm>> -> memref<26x512xi32, #tpu.memory_space<hbm>>
      tpu.enqueue_dma source(%dma_start3A_76 : memref<26x512xi32, #tpu.memory_space<hbm>>) target(%arg5 : memref<26x512xi32, #tpu.memory_space<vmem>>) target_semaphore(%run_scoped3A : memref<!tpu.dma_semaphore, #tpu.memory_space<semaphore_mem>>)
      %dma_wait3A_77 = arith.constant 0 : i32
      %dma_wait3A_78 = arith.constant 0 : i32
      %dma_wait3A_79 = tpu.memref_slice %arg2[%add3A, %dma_wait3A_77, %dma_wait3A_78] : memref<32x26x512xi32, #tpu.memory_space<hbm>> -> memref<1x26x512xi32, #tpu.memory_space<hbm>>
      %dma_wait3A_80 = tpu.memref_squeeze %dma_wait3A_79 : memref<1x26x512xi32, #tpu.memory_space<hbm>> -> memref<26x512xi32, #tpu.memory_space<hbm>>
      %dma_wait3A_81 = arith.constant 0 : i32
      %dma_wait3A_82 = arith.constant 0 : i32
      %dma_wait3A_83 = tpu.memref_slice %arg2[%add3A, %dma_wait3A_81, %dma_wait3A_82] : memref<32x26x512xi32, #tpu.memory_space<hbm>> -> memref<1x26x512xi32, #tpu.memory_space<hbm>>
      %dma_wait3A_84 = tpu.memref_squeeze %dma_wait3A_83 : memref<1x26x512xi32, #tpu.memory_space<hbm>> -> memref<26x512xi32, #tpu.memory_space<hbm>>
      tpu.wait_dma2 semaphore(%run_scoped3A : memref<!tpu.dma_semaphore, #tpu.memory_space<semaphore_mem>>) src(%dma_wait3A_84 : memref<26x512xi32, #tpu.memory_space<hbm>>) dst(%arg5 : memref<26x512xi32, #tpu.memory_space<vmem>>)
      tpu.yield
    }) : () -> ()
    %dma_start3A = arith.constant 0 : i32
    %dma_start3A_3 = arith.constant 0 : i32
    %dma_start3A_4 = arith.constant 0 : i32
    %dma_start3A_5 = arith.constant 0 : i32
    %dma_start3A_6 = arith.constant 0 : i32
    %dma_start3A_7 = tpu.memref_slice %arg6[%dma_start3A_3, %dma_start3A_5, %dma_start3A_6] : memref<4x512x32xf32, #tpu.memory_space<vmem>> -> memref<1x512x32xf32, #tpu.memory_space<vmem>>
    %dma_start3A_8 = tpu.memref_squeeze %dma_start3A_7 : memref<1x512x32xf32, #tpu.memory_space<vmem>> -> memref<512x32xf32, #tpu.memory_space<vmem>>
    %dma_start3A_9 = arith.constant 0 : i32
    %dma_start3A_10 = tpu.memref_slice %arg5[%dma_start3A, %dma_start3A_9] : memref<26x512xi32, #tpu.memory_space<vmem>> -> memref<1x512xi32, #tpu.memory_space<vmem>>
    %dma_start3A_11 = tpu.memref_squeeze %dma_start3A_10 : memref<1x512xi32, #tpu.memory_space<vmem>> -> memref<512xi32, #tpu.memory_space<vmem>>
    %dma_start3A_12 = arith.constant 0 : i32
    %dma_start3A_13 = arith.constant 0 : i32
    %dma_start3A_14 = tpu.memref_slice %arg3[%dma_start3A_12, %dma_start3A_13] : memref<1015808x32xf32, #tpu.memory_space<hbm>> -> memref<1015808x32xf32, #tpu.memory_space<hbm>>
    %dma_start3A_15 = tpu.memref_slice %arg7[%dma_start3A_4] : memref<4x!tpu.dma_semaphore, #tpu.memory_space<semaphore_mem>> -> memref<1x!tpu.dma_semaphore, #tpu.memory_space<semaphore_mem>>
    %dma_start3A_16 = tpu.memref_squeeze %dma_start3A_15 : memref<1x!tpu.dma_semaphore, #tpu.memory_space<semaphore_mem>> -> memref<!tpu.dma_semaphore, #tpu.memory_space<semaphore_mem>>
    tpu.enqueue_indirect_dma source(%dma_start3A_14 : memref<1015808x32xf32, #tpu.memory_space<hbm>>) target(%dma_start3A_8 : memref<512x32xf32, #tpu.memory_space<vmem>>) offsets(%dma_start3A_11 : memref<512xi32, #tpu.memory_space<vmem>>) semaphore(%dma_start3A_16 : memref<!tpu.dma_semaphore, #tpu.memory_space<semaphore_mem>>)
    %dma_start3A_17 = arith.constant 1 : i32
    %dma_start3A_18 = arith.constant 1 : i32
    %dma_start3A_19 = arith.constant 1 : i32
    %dma_start3A_20 = arith.constant 0 : i32
    %dma_start3A_21 = arith.constant 0 : i32
    %dma_start3A_22 = tpu.memref_slice %arg6[%dma_start3A_18, %dma_start3A_20, %dma_start3A_21] : memref<4x512x32xf32, #tpu.memory_space<vmem>> -> memref<1x512x32xf32, #tpu.memory_space<vmem>>
    %dma_start3A_23 = tpu.memref_squeeze %dma_start3A_22 : memref<1x512x32xf32, #tpu.memory_space<vmem>> -> memref<512x32xf32, #tpu.memory_space<vmem>>
    %dma_start3A_24 = arith.constant 0 : i32
    %dma_start3A_25 = tpu.memref_slice %arg5[%dma_start3A_17, %dma_start3A_24] : memref<26x512xi32, #tpu.memory_space<vmem>> -> memref<1x512xi32, #tpu.memory_space<vmem>>
    %dma_start3A_26 = tpu.memref_squeeze %dma_start3A_25 : memref<1x512xi32, #tpu.memory_space<vmem>> -> memref<512xi32, #tpu.memory_space<vmem>>
    %dma_start3A_27 = arith.constant 0 : i32
    %dma_start3A_28 = arith.constant 0 : i32
    %dma_start3A_29 = tpu.memref_slice %arg3[%dma_start3A_27, %dma_start3A_28] : memref<1015808x32xf32, #tpu.memory_space<hbm>> -> memref<1015808x32xf32, #tpu.memory_space<hbm>>
    %dma_start3A_30 = tpu.memref_slice %arg7[%dma_start3A_19] : memref<4x!tpu.dma_semaphore, #tpu.memory_space<semaphore_mem>> -> memref<1x!tpu.dma_semaphore, #tpu.memory_space<semaphore_mem>>
    %dma_start3A_31 = tpu.memref_squeeze %dma_start3A_30 : memref<1x!tpu.dma_semaphore, #tpu.memory_space<semaphore_mem>> -> memref<!tpu.dma_semaphore, #tpu.memory_space<semaphore_mem>>
    tpu.enqueue_indirect_dma source(%dma_start3A_29 : memref<1015808x32xf32, #tpu.memory_space<hbm>>) target(%dma_start3A_23 : memref<512x32xf32, #tpu.memory_space<vmem>>) offsets(%dma_start3A_26 : memref<512xi32, #tpu.memory_space<vmem>>) semaphore(%dma_start3A_31 : memref<!tpu.dma_semaphore, #tpu.memory_space<semaphore_mem>>)
    %dma_start3A_32 = arith.constant 2 : i32
    %dma_start3A_33 = arith.constant 2 : i32
    %dma_start3A_34 = arith.constant 2 : i32
    %dma_start3A_35 = arith.constant 0 : i32
    %dma_start3A_36 = arith.constant 0 : i32
    %dma_start3A_37 = tpu.memref_slice %arg6[%dma_start3A_33, %dma_start3A_35, %dma_start3A_36] : memref<4x512x32xf32, #tpu.memory_space<vmem>> -> memref<1x512x32xf32, #tpu.memory_space<vmem>>
    %dma_start3A_38 = tpu.memref_squeeze %dma_start3A_37 : memref<1x512x32xf32, #tpu.memory_space<vmem>> -> memref<512x32xf32, #tpu.memory_space<vmem>>
    %dma_start3A_39 = arith.constant 0 : i32
    %dma_start3A_40 = tpu.memref_slice %arg5[%dma_start3A_32, %dma_start3A_39] : memref<26x512xi32, #tpu.memory_space<vmem>> -> memref<1x512xi32, #tpu.memory_space<vmem>>
    %dma_start3A_41 = tpu.memref_squeeze %dma_start3A_40 : memref<1x512xi32, #tpu.memory_space<vmem>> -> memref<512xi32, #tpu.memory_space<vmem>>
    %dma_start3A_42 = arith.constant 0 : i32
    %dma_start3A_43 = arith.constant 0 : i32
    %dma_start3A_44 = tpu.memref_slice %arg3[%dma_start3A_42, %dma_start3A_43] : memref<1015808x32xf32, #tpu.memory_space<hbm>> -> memref<1015808x32xf32, #tpu.memory_space<hbm>>
    %dma_start3A_45 = tpu.memref_slice %arg7[%dma_start3A_34] : memref<4x!tpu.dma_semaphore, #tpu.memory_space<semaphore_mem>> -> memref<1x!tpu.dma_semaphore, #tpu.memory_space<semaphore_mem>>
    %dma_start3A_46 = tpu.memref_squeeze %dma_start3A_45 : memref<1x!tpu.dma_semaphore, #tpu.memory_space<semaphore_mem>> -> memref<!tpu.dma_semaphore, #tpu.memory_space<semaphore_mem>>
    tpu.enqueue_indirect_dma source(%dma_start3A_44 : memref<1015808x32xf32, #tpu.memory_space<hbm>>) target(%dma_start3A_38 : memref<512x32xf32, #tpu.memory_space<vmem>>) offsets(%dma_start3A_41 : memref<512xi32, #tpu.memory_space<vmem>>) semaphore(%dma_start3A_46 : memref<!tpu.dma_semaphore, #tpu.memory_space<semaphore_mem>>)
    %scan3A = arith.constant 0 : i32
    %scan3A_47 = arith.constant 0 : i32
    %scan3A_48 = arith.constant 26 : i32
    %scan3A_49 = arith.addi %scan3A_47, %scan3A_48 : i32
    %scan3A_50 = arith.constant 1 : i32
    scf.for %scan3A_69 = %scan3A_47 to %scan3A_49 step %scan3A_50  : i32 {
      %rem3A = arith.constant 4 : i32
      %rem3A_70 = arith.remsi %scan3A_69, %rem3A : i32
      %add3A_71 = arith.constant 4 : i32
      %add3A_72 = arith.addi %scan3A_69, %add3A_71 : i32
      %sub3A = arith.constant 1 : i32
      %sub3A_73 = arith.subi %add3A_72, %sub3A : i32
      %rem3A_74 = arith.constant 4 : i32
      %rem3A_75 = arith.remsi %sub3A_73, %rem3A_74 : i32
      %dma_wait3A_76 = arith.constant 0 : i32
      %dma_wait3A_77 = arith.constant 0 : i32
      %dma_wait3A_78 = tpu.memref_slice %arg6[%rem3A_70, %dma_wait3A_76, %dma_wait3A_77] : memref<4x512x32xf32, #tpu.memory_space<vmem>> -> memref<1x512x32xf32, #tpu.memory_space<vmem>>
      %dma_wait3A_79 = tpu.memref_squeeze %dma_wait3A_78 : memref<1x512x32xf32, #tpu.memory_space<vmem>> -> memref<512x32xf32, #tpu.memory_space<vmem>>
      %dma_wait3A_80 = arith.constant 0 : i32
      %dma_wait3A_81 = tpu.memref_slice %arg5[%scan3A_69, %dma_wait3A_80] : memref<26x512xi32, #tpu.memory_space<vmem>> -> memref<1x512xi32, #tpu.memory_space<vmem>>
      %dma_wait3A_82 = tpu.memref_squeeze %dma_wait3A_81 : memref<1x512xi32, #tpu.memory_space<vmem>> -> memref<512xi32, #tpu.memory_space<vmem>>
      %dma_wait3A_83 = arith.constant 0 : i32
      %dma_wait3A_84 = arith.constant 0 : i32
      %dma_wait3A_85 = tpu.memref_slice %arg3[%dma_wait3A_83, %dma_wait3A_84] : memref<1015808x32xf32, #tpu.memory_space<hbm>> -> memref<1015808x32xf32, #tpu.memory_space<hbm>>
      %dma_wait3A_86 = tpu.memref_slice %arg7[%rem3A_70] : memref<4x!tpu.dma_semaphore, #tpu.memory_space<semaphore_mem>> -> memref<1x!tpu.dma_semaphore, #tpu.memory_space<semaphore_mem>>
      %dma_wait3A_87 = tpu.memref_squeeze %dma_wait3A_86 : memref<1x!tpu.dma_semaphore, #tpu.memory_space<semaphore_mem>> -> memref<!tpu.dma_semaphore, #tpu.memory_space<semaphore_mem>>
      tpu.wait_indirect_dma semaphore(%dma_wait3A_87 : memref<!tpu.dma_semaphore, #tpu.memory_space<semaphore_mem>>) src(%dma_wait3A_85 : memref<1015808x32xf32, #tpu.memory_space<hbm>>) dst(%dma_wait3A_79 : memref<512x32xf32, #tpu.memory_space<vmem>>)
      %ge3A = arith.constant 1 : i32
      %ge3A_88 = arith.cmpi sge, %scan3A_69, %ge3A : i32
      %convert_element_type3A = arith.extui %ge3A_88 : i1 to i32
      %cond3A = arith.constant 0 : i32
      %cond3A_89 = arith.cmpi ne, %convert_element_type3A, %cond3A : i32
      scf.if %cond3A_89 {
        %sub3A_113 = arith.constant 1 : i32
        %sub3A_114 = arith.subi %scan3A_69, %sub3A_113 : i32
        %mul3A_115 = arith.constant 512 : i32
        %mul3A_116 = arith.muli %sub3A_114, %mul3A_115 : i32
        %add3A_117 = arith.addi %mul3A_2, %mul3A_116 : i32
        %dma_wait3A_118 = arith.constant 0 : i32
        %dma_wait3A_119 = arith.constant 0 : i32
        %dma_wait3A_120 = tpu.memref_slice %arg6[%rem3A_75, %dma_wait3A_118, %dma_wait3A_119] : memref<4x512x32xf32, #tpu.memory_space<vmem>> -> memref<1x512x32xf32, #tpu.memory_space<vmem>>
        %dma_wait3A_121 = tpu.memref_squeeze %dma_wait3A_120 : memref<1x512x32xf32, #tpu.memory_space<vmem>> -> memref<512x32xf32, #tpu.memory_space<vmem>>
        %dma_wait3A_122 = arith.constant 0 : i32
        %dma_wait3A_123 = tpu.memref_slice %arg4[%add3A_117, %dma_wait3A_122] : memref<425984x128xf32, #tpu.memory_space<hbm>> -> memref<512x32xf32, #tpu.memory_space<hbm>>
        %dma_wait3A_124 = tpu.memref_slice %arg8[%rem3A_75] : memref<4x!tpu.dma_semaphore, #tpu.memory_space<semaphore_mem>> -> memref<1x!tpu.dma_semaphore, #tpu.memory_space<semaphore_mem>>
        %dma_wait3A_125 = tpu.memref_squeeze %dma_wait3A_124 : memref<1x!tpu.dma_semaphore, #tpu.memory_space<semaphore_mem>> -> memref<!tpu.dma_semaphore, #tpu.memory_space<semaphore_mem>>
        %dma_wait3A_126 = arith.constant 0 : i32
        %dma_wait3A_127 = tpu.memref_slice %arg4[%add3A_117, %dma_wait3A_126] : memref<425984x128xf32, #tpu.memory_space<hbm>> -> memref<512x32xf32, #tpu.memory_space<hbm>>
        %dma_wait3A_128 = arith.constant 0 : i32
        %dma_wait3A_129 = arith.constant 0 : i32
        %dma_wait3A_130 = tpu.memref_slice %arg6[%rem3A_75, %dma_wait3A_128, %dma_wait3A_129] : memref<4x512x32xf32, #tpu.memory_space<vmem>> -> memref<1x512x32xf32, #tpu.memory_space<vmem>>
        %dma_wait3A_131 = tpu.memref_squeeze %dma_wait3A_130 : memref<1x512x32xf32, #tpu.memory_space<vmem>> -> memref<512x32xf32, #tpu.memory_space<vmem>>
        tpu.wait_dma2 semaphore(%dma_wait3A_125 : memref<!tpu.dma_semaphore, #tpu.memory_space<semaphore_mem>>) src(%dma_wait3A_131 : memref<512x32xf32, #tpu.memory_space<vmem>>) dst(%dma_wait3A_127 : memref<512x32xf32, #tpu.memory_space<hbm>>)
      } else {
      }
      %add3A_90 = arith.constant 3 : i32
      %add3A_91 = arith.addi %scan3A_69, %add3A_90 : i32
      %lt3A = arith.constant 26 : i32
      %lt3A_92 = arith.cmpi slt, %add3A_91, %lt3A : i32
      %convert_element_type3A_93 = arith.extui %lt3A_92 : i1 to i32
      %cond3A_94 = arith.constant 0 : i32
      %cond3A_95 = arith.cmpi ne, %convert_element_type3A_93, %cond3A_94 : i32
      scf.if %cond3A_95 {
        %add3A_113 = arith.constant 3 : i32
        %add3A_114 = arith.addi %scan3A_69, %add3A_113 : i32
        %dma_start3A_115 = arith.constant 0 : i32
        %dma_start3A_116 = arith.constant 0 : i32
        %dma_start3A_117 = tpu.memref_slice %arg6[%rem3A_75, %dma_start3A_115, %dma_start3A_116] : memref<4x512x32xf32, #tpu.memory_space<vmem>> -> memref<1x512x32xf32, #tpu.memory_space<vmem>>
        %dma_start3A_118 = tpu.memref_squeeze %dma_start3A_117 : memref<1x512x32xf32, #tpu.memory_space<vmem>> -> memref<512x32xf32, #tpu.memory_space<vmem>>
        %dma_start3A_119 = arith.constant 0 : i32
        %dma_start3A_120 = tpu.memref_slice %arg5[%add3A_114, %dma_start3A_119] : memref<26x512xi32, #tpu.memory_space<vmem>> -> memref<1x512xi32, #tpu.memory_space<vmem>>
        %dma_start3A_121 = tpu.memref_squeeze %dma_start3A_120 : memref<1x512xi32, #tpu.memory_space<vmem>> -> memref<512xi32, #tpu.memory_space<vmem>>
        %dma_start3A_122 = arith.constant 0 : i32
        %dma_start3A_123 = arith.constant 0 : i32
        %dma_start3A_124 = tpu.memref_slice %arg3[%dma_start3A_122, %dma_start3A_123] : memref<1015808x32xf32, #tpu.memory_space<hbm>> -> memref<1015808x32xf32, #tpu.memory_space<hbm>>
        %dma_start3A_125 = tpu.memref_slice %arg7[%rem3A_75] : memref<4x!tpu.dma_semaphore, #tpu.memory_space<semaphore_mem>> -> memref<1x!tpu.dma_semaphore, #tpu.memory_space<semaphore_mem>>
        %dma_start3A_126 = tpu.memref_squeeze %dma_start3A_125 : memref<1x!tpu.dma_semaphore, #tpu.memory_space<semaphore_mem>> -> memref<!tpu.dma_semaphore, #tpu.memory_space<semaphore_mem>>
        tpu.enqueue_indirect_dma source(%dma_start3A_124 : memref<1015808x32xf32, #tpu.memory_space<hbm>>) target(%dma_start3A_118 : memref<512x32xf32, #tpu.memory_space<vmem>>) offsets(%dma_start3A_121 : memref<512xi32, #tpu.memory_space<vmem>>) semaphore(%dma_start3A_126 : memref<!tpu.dma_semaphore, #tpu.memory_space<semaphore_mem>>)
      } else {
      }
      %mul3A_96 = arith.constant 512 : i32
      %mul3A_97 = arith.muli %scan3A_69, %mul3A_96 : i32
      %add3A_98 = arith.addi %mul3A_2, %mul3A_97 : i32
      %dma_start3A_99 = arith.constant 0 : i32
      %dma_start3A_100 = arith.constant 0 : i32
      %dma_start3A_101 = tpu.memref_slice %arg6[%rem3A_70, %dma_start3A_99, %dma_start3A_100] : memref<4x512x32xf32, #tpu.memory_space<vmem>> -> memref<1x512x32xf32, #tpu.memory_space<vmem>>
      %dma_start3A_102 = tpu.memref_squeeze %dma_start3A_101 : memref<1x512x32xf32, #tpu.memory_space<vmem>> -> memref<512x32xf32, #tpu.memory_space<vmem>>
      %dma_start3A_103 = arith.constant 0 : i32
      %dma_start3A_104 = tpu.memref_slice %arg4[%add3A_98, %dma_start3A_103] : memref<425984x128xf32, #tpu.memory_space<hbm>> -> memref<512x32xf32, #tpu.memory_space<hbm>>
      %dma_start3A_105 = tpu.memref_slice %arg8[%rem3A_70] : memref<4x!tpu.dma_semaphore, #tpu.memory_space<semaphore_mem>> -> memref<1x!tpu.dma_semaphore, #tpu.memory_space<semaphore_mem>>
      %dma_start3A_106 = tpu.memref_squeeze %dma_start3A_105 : memref<1x!tpu.dma_semaphore, #tpu.memory_space<semaphore_mem>> -> memref<!tpu.dma_semaphore, #tpu.memory_space<semaphore_mem>>
      %dma_start3A_107 = arith.constant 0 : i32
      %dma_start3A_108 = tpu.memref_slice %arg4[%add3A_98, %dma_start3A_107] : memref<425984x128xf32, #tpu.memory_space<hbm>> -> memref<512x32xf32, #tpu.memory_space<hbm>>
      %dma_start3A_109 = arith.constant 0 : i32
      %dma_start3A_110 = arith.constant 0 : i32
      %dma_start3A_111 = tpu.memref_slice %arg6[%rem3A_70, %dma_start3A_109, %dma_start3A_110] : memref<4x512x32xf32, #tpu.memory_space<vmem>> -> memref<1x512x32xf32, #tpu.memory_space<vmem>>
      %dma_start3A_112 = tpu.memref_squeeze %dma_start3A_111 : memref<1x512x32xf32, #tpu.memory_space<vmem>> -> memref<512x32xf32, #tpu.memory_space<vmem>>
      tpu.enqueue_dma source(%dma_start3A_112 : memref<512x32xf32, #tpu.memory_space<vmem>>) target(%dma_start3A_108 : memref<512x32xf32, #tpu.memory_space<hbm>>) target_semaphore(%dma_start3A_106 : memref<!tpu.dma_semaphore, #tpu.memory_space<semaphore_mem>>)
    }
    %scan3A_51 = arith.constant 26 : i32
    %add3A_52 = arith.constant 12800 : i32
    %add3A_53 = arith.addi %mul3A_2, %add3A_52 : i32
    %dma_wait3A = arith.constant 1 : i32
    %dma_wait3A_54 = arith.constant 1 : i32
    %dma_wait3A_55 = arith.constant 0 : i32
    %dma_wait3A_56 = arith.constant 0 : i32
    %dma_wait3A_57 = tpu.memref_slice %arg6[%dma_wait3A, %dma_wait3A_55, %dma_wait3A_56] : memref<4x512x32xf32, #tpu.memory_space<vmem>> -> memref<1x512x32xf32, #tpu.memory_space<vmem>>
    %dma_wait3A_58 = tpu.memref_squeeze %dma_wait3A_57 : memref<1x512x32xf32, #tpu.memory_space<vmem>> -> memref<512x32xf32, #tpu.memory_space<vmem>>
    %dma_wait3A_59 = arith.constant 0 : i32
    %dma_wait3A_60 = tpu.memref_slice %arg4[%add3A_53, %dma_wait3A_59] : memref<425984x128xf32, #tpu.memory_space<hbm>> -> memref<512x32xf32, #tpu.memory_space<hbm>>
    %dma_wait3A_61 = tpu.memref_slice %arg8[%dma_wait3A_54] : memref<4x!tpu.dma_semaphore, #tpu.memory_space<semaphore_mem>> -> memref<1x!tpu.dma_semaphore, #tpu.memory_space<semaphore_mem>>
    %dma_wait3A_62 = tpu.memref_squeeze %dma_wait3A_61 : memref<1x!tpu.dma_semaphore, #tpu.memory_space<semaphore_mem>> -> memref<!tpu.dma_semaphore, #tpu.memory_space<semaphore_mem>>
    %dma_wait3A_63 = arith.constant 0 : i32
    %dma_wait3A_64 = tpu.memref_slice %arg4[%add3A_53, %dma_wait3A_63] : memref<425984x128xf32, #tpu.memory_space<hbm>> -> memref<512x32xf32, #tpu.memory_space<hbm>>
    %dma_wait3A_65 = arith.constant 0 : i32
    %dma_wait3A_66 = arith.constant 0 : i32
    %dma_wait3A_67 = tpu.memref_slice %arg6[%dma_wait3A, %dma_wait3A_65, %dma_wait3A_66] : memref<4x512x32xf32, #tpu.memory_space<vmem>> -> memref<1x512x32xf32, #tpu.memory_space<vmem>>
    %dma_wait3A_68 = tpu.memref_squeeze %dma_wait3A_67 : memref<1x512x32xf32, #tpu.memory_space<vmem>> -> memref<512x32xf32, #tpu.memory_space<vmem>>
    tpu.wait_dma2 semaphore(%dma_wait3A_62 : memref<!tpu.dma_semaphore, #tpu.memory_space<semaphore_mem>>) src(%dma_wait3A_68 : memref<512x32xf32, #tpu.memory_space<vmem>>) dst(%dma_wait3A_64 : memref<512x32xf32, #tpu.memory_space<hbm>>)
    return
  }
}

module attributes {stable_mosaic.version = 14 : i64} {
  func.func @body(%arg0: i32, %arg1: memref<32x16384xf32, #tpu.memory_space<vmem>>, %arg2: memref<4096x128xf32, #tpu.memory_space<vmem>>) attributes {dimension_semantics = [#tpu.dimension_semantics<arbitrary>], iteration_bounds = array<i64: 62>, scalar_prefetch = 0 : i64, scratch_operands = 0 : i64, tpu.core_type = #tpu.core_type<tc>, window_params = [{transform_indices = @transform_0, window_bounds = array<i64: 32, 16384>}, {transform_indices = @transform_1, window_bounds = array<i64: 4096, 128>}]} {
    %get3A = arith.constant 0 : index
    %get3A_0 = arith.constant 0 : index
    %get3A_1 = vector.load %arg1[%get3A, %get3A_0] : memref<32x16384xf32, #tpu.memory_space<vmem>>, vector<32x16384xf32>
    %reshape3A = vector.shape_cast %get3A_1 : vector<32x16384xf32> to vector<128x4096xf32>
    %transpose3A = tpu.transpose %reshape3A, [1, 0] : vector<128x4096xf32> -> vector<4096x128xf32>
    %iota3A = tpu.iota {dimensions = array<i32: 1>} : vector<1x128xi32>
    %iota3A_2 = vector.shape_cast %iota3A : vector<1x128xi32> to vector<128xi32>
    %jit3A = arith.constant 32 : i32
    %eq3A = arith.constant 0 : i32
    %eq3A_3 = arith.cmpi eq, %jit3A, %eq3A : i32
    %jit3A_4 = arith.constant 1 : i32
    %select_n3A = arith.select %eq3A_3, %jit3A_4, %jit3A : i32
    %rem3A = vector.broadcast %select_n3A : i32 to vector<128xi32>
    %rem3A_5 = arith.remsi %iota3A_2, %rem3A : vector<128xi32>
    %ne3A = arith.constant 0 : i32
    %ne3A_6 = vector.broadcast %ne3A : i32 to vector<128xi32>
    %ne3A_7 = arith.cmpi ne, %rem3A_5, %ne3A_6 : vector<128xi32>
    %lt3A = arith.constant 0 : i32
    %lt3A_8 = vector.broadcast %lt3A : i32 to vector<128xi32>
    %lt3A_9 = arith.cmpi slt, %rem3A_5, %lt3A_8 : vector<128xi32>
    %lt3A_10 = arith.constant 0 : i32
    %lt3A_11 = arith.cmpi slt, %select_n3A, %lt3A_10 : i32
    %ne3A_12 = vector.broadcast %lt3A_11 : i1 to vector<128xi1>
    %ne3A_13 = vector.broadcast %ne3A_12 : vector<128xi1> to vector<128xi1>
    %ne3A_14 = arith.xori %lt3A_9, %ne3A_13 : vector<128xi1>
    %and3A = arith.andi %ne3A_14, %ne3A_7 : vector<128xi1>
    %add3A = vector.broadcast %select_n3A : i32 to vector<128xi32>
    %add3A_15 = arith.addi %rem3A_5, %add3A : vector<128xi32>
    %select_n3A_16 = arith.select %and3A, %add3A_15, %rem3A_5 : vector<128xi1>, vector<128xi32>
    %mul3A = arith.constant 4 : i32
    %mul3A_17 = vector.broadcast %mul3A : i32 to vector<128xi32>
    %mul3A_18 = arith.muli %select_n3A_16, %mul3A_17 : vector<128xi32>
    %jit3A_19 = arith.constant 32 : i32
    %div3A = vector.broadcast %jit3A_19 : i32 to vector<128xi32>
    %div3A_20 = arith.divsi %iota3A_2, %div3A : vector<128xi32>
    %sign3A = arith.constant 0 : i32
    %sign3A_21 = vector.broadcast %sign3A : i32 to vector<128xi32>
    %sign3A_22 = arith.cmpi sgt, %iota3A_2, %sign3A_21 : vector<128xi32>
    %sign3A_23 = arith.extui %sign3A_22 : vector<128xi1> to vector<128xi32>
    %sign3A_24 = arith.constant 0 : i32
    %sign3A_25 = vector.broadcast %sign3A_24 : i32 to vector<128xi32>
    %sign3A_26 = arith.cmpi slt, %iota3A_2, %sign3A_25 : vector<128xi32>
    %sign3A_27 = arith.extui %sign3A_26 : vector<128xi1> to vector<128xi32>
    %sign3A_28 = arith.subi %sign3A_23, %sign3A_27 : vector<128xi32>
    %sign3A_29 = arith.constant 0 : i32
    %sign3A_30 = arith.cmpi sgt, %jit3A_19, %sign3A_29 : i32
    %sign3A_31 = arith.extui %sign3A_30 : i1 to i32
    %sign3A_32 = arith.constant 0 : i32
    %sign3A_33 = arith.cmpi slt, %jit3A_19, %sign3A_32 : i32
    %sign3A_34 = arith.extui %sign3A_33 : i1 to i32
    %sign3A_35 = arith.subi %sign3A_31, %sign3A_34 : i32
    %ne3A_36 = vector.broadcast %sign3A_35 : i32 to vector<128xi32>
    %ne3A_37 = arith.cmpi ne, %sign3A_28, %ne3A_36 : vector<128xi32>
    %rem3A_38 = vector.broadcast %jit3A_19 : i32 to vector<128xi32>
    %rem3A_39 = arith.remsi %iota3A_2, %rem3A_38 : vector<128xi32>
    %ne3A_40 = arith.constant 0 : i32
    %ne3A_41 = vector.broadcast %ne3A_40 : i32 to vector<128xi32>
    %ne3A_42 = arith.cmpi ne, %rem3A_39, %ne3A_41 : vector<128xi32>
    %and3A_43 = arith.andi %ne3A_37, %ne3A_42 : vector<128xi1>
    %sub3A = arith.constant 1 : i32
    %sub3A_44 = vector.broadcast %sub3A : i32 to vector<128xi32>
    %sub3A_45 = arith.subi %div3A_20, %sub3A_44 : vector<128xi32>
    %select_n3A_46 = arith.select %and3A_43, %sub3A_45, %div3A_20 : vector<128xi1>, vector<128xi32>
    %add3A_47 = arith.addi %mul3A_18, %select_n3A_46 : vector<128xi32>
    %broadcast_in_dim3A = vector.shape_cast %add3A_47 : vector<128xi32> to vector<1x128xi32>
    %broadcast_in_dim3A_48 = vector.shape_cast %broadcast_in_dim3A : vector<1x128xi32> to vector<1x128xi32>
    %broadcast_in_dim3A_49 = vector.broadcast %broadcast_in_dim3A_48 : vector<1x128xi32> to vector<4096x128xi32>
    %lt3A_50 = arith.constant 0 : i32
    %lt3A_51 = vector.broadcast %lt3A_50 : i32 to vector<4096x128xi32>
    %lt3A_52 = arith.cmpi slt, %broadcast_in_dim3A_49, %lt3A_51 : vector<4096x128xi32>
    %add3A_53 = arith.constant 128 : i32
    %add3A_54 = vector.broadcast %add3A_53 : i32 to vector<4096x128xi32>
    %add3A_55 = arith.addi %broadcast_in_dim3A_49, %add3A_54 : vector<4096x128xi32>
    %select_n3A_56 = arith.select %lt3A_52, %add3A_55, %broadcast_in_dim3A_49 : vector<4096x128xi1>, vector<4096x128xi32>
    %reshape3A_57 = vector.shape_cast %select_n3A_56 : vector<4096x128xi32> to vector<4096x128x1xi32>
    %gather3A = vector.shape_cast %reshape3A_57 : vector<4096x128x1xi32> to vector<4096x128xi32>
    %gather3A_58 = tpu.dynamic_gather %transpose3A[%gather3A] in [1] : vector<4096x128xf32>, vector<4096x128xi32> -> vector<4096x128xf32>
    %swap3A = arith.constant 0 : index
    %swap3A_59 = arith.constant 0 : index
    %swap3A_60 = vector.load %arg2[%swap3A, %swap3A_59] : memref<4096x128xf32, #tpu.memory_space<vmem>>, vector<4096x128xf32>
    tpu.vector_store %arg2[%swap3A, %swap3A_59], %gather3A_58 {strides = array<i32>} : memref<4096x128xf32, #tpu.memory_space<vmem>>, vector<4096x128xf32>,
    return
  }
  func.func @transform_0(%arg0: i32) -> (i32, i32) {
    %c0_i32 = arith.constant 0 : i32
    %c0_i32_0 = arith.constant 0 : i32
    return %c0_i32, %arg0 : i32, i32
  }
  func.func @transform_1(%arg0: i32) -> (i32, i32) {
    %c0_i32 = arith.constant 0 : i32
    %c0_i32_0 = arith.constant 0 : i32
    return %arg0, %c0_i32 : i32, i32
  }
}

module attributes {stable_mosaic.version = 14 : i64} {
  func.func @body(%arg0: i32, %arg1: i32, %arg2: memref<4096x128xf32, #tpu.memory_space<vmem>>, %arg3: memref<1x4x32x8x128xf32, #tpu.memory_space<vmem>>) attributes {dimension_semantics = [#tpu.dimension_semantics<arbitrary>, #tpu.dimension_semantics<arbitrary>], iteration_bounds = array<i64: 26, 4>, scalar_prefetch = 0 : i64, scratch_operands = 0 : i64, tpu.core_type = #tpu.core_type<tc>, window_params = [{transform_indices = @transform_0, window_bounds = array<i64: 4096, 128>}, {transform_indices = @transform_1, window_bounds = array<i64: 1, 4, 32, 8, 128>}]} {
    %get3A = arith.constant 0 : index
    %get3A_0 = arith.constant 0 : index
    %get3A_1 = vector.load %arg2[%get3A, %get3A_0] : memref<4096x128xf32, #tpu.memory_space<vmem>>, vector<4096x128xf32>
    %transpose3A = tpu.transpose %get3A_1, [1, 0] : vector<4096x128xf32> -> vector<128x4096xf32>
    %reshape3A = vector.shape_cast %transpose3A : vector<128x4096xf32> to vector<128x32x128xf32>
    %slice3A = vector.extract_strided_slice %reshape3A {offsets = [0, 0, 0], sizes = [32, 32, 128], strides = [1, 1, 1]} : vector<128x32x128xf32> to vector<32x32x128xf32>
    %reshape3A_2 = vector.shape_cast %slice3A : vector<32x32x128xf32> to vector<4x8x32x128xf32>
    %transpose3A_3 = tpu.transpose %reshape3A_2, [0, 2, 1, 3] : vector<4x8x32x128xf32> -> vector<4x32x8x128xf32>
    %swap3A = arith.constant 0 : index
    %swap3A_4 = arith.constant 0 : index
    %swap3A_5 = arith.constant 0 : index
    %swap3A_6 = arith.constant 0 : index
    %swap3A_7 = arith.constant 0 : index
    %swap3A_8 = vector.load %arg3[%swap3A, %swap3A_4, %swap3A_5, %swap3A_6, %swap3A_7] : memref<1x4x32x8x128xf32, #tpu.memory_space<vmem>>, vector<1x4x32x8x128xf32>
    %swap3A_9 = vector.shape_cast %swap3A_8 : vector<1x4x32x8x128xf32> to vector<4x32x8x128xf32>
    %swap3A_10 = vector.shape_cast %transpose3A_3 : vector<4x32x8x128xf32> to vector<1x4x32x8x128xf32>
    tpu.vector_store %arg3[%swap3A, %swap3A_4, %swap3A_5, %swap3A_6, %swap3A_7], %swap3A_10 {strides = array<i32>} : memref<1x4x32x8x128xf32, #tpu.memory_space<vmem>>, vector<1x4x32x8x128xf32>,
    return
  }
  func.func @transform_0(%arg0: i32, %arg1: i32) -> (i32, i32) {
    %mul3A = arith.constant 4 : i32
    %mul3A_0 = arith.muli %arg0, %mul3A : i32
    %add3A = arith.addi %mul3A_0, %arg1 : i32
    %c0_i32 = arith.constant 0 : i32
    %c0_i32_1 = arith.constant 0 : i32
    return %add3A, %c0_i32 : i32, i32
  }
  func.func @transform_1(%arg0: i32, %arg1: i32) -> (i32, i32, i32, i32, i32) {
    %c0_i32 = arith.constant 0 : i32
    %c0_i32_0 = arith.constant 0 : i32
    %c0_i32_1 = arith.constant 0 : i32
    %c0_i32_2 = arith.constant 0 : i32
    return %arg0, %c0_i32, %arg1, %c0_i32_0, %c0_i32_1 : i32, i32, i32, i32, i32
  }
}

</mosaic_0001>

<sc_bundles>
// kernel: kernel.5.cloned.1.call-start
scs
__scs_entry_jumppad:
0x0: {  	(pc) =	sbr.rel $0x88, $3  }
0x1: {  	(tag) =	ssettag $0x0;
	lr =	simm.s32 $0x1  }
0x2: {  	[smem:$0x3F9F] =	sst lr;
	_ =	strace $0xD0000000  }
0x3: {  	_ = 	snop  }
0x4: {  	_ = 	snop  }
0x5: {  	_ = 	snop  }
0x6: {  	_ = 	snop  }
0x7: {  	_ = 	snop  }
__scs_overlays_trampoline_lowered:
0x8: {  	[smem:$0x3FAE] =	sst s0  }
0x9: {  	[smem:$0x3FAF] =	sst s1  }
0xa: {  	[smem:$0x3FB0] =	sst s2  }
0xb: {  	[smem:$0x3FB1] =	sst s3  }
0xc: {  	[smem:$0x3FB2] =	sst s4  }
0xd: {  	[smem:$0x3FB3] =	sst s5  }
0xe: {  	[smem:$0x3FB4] =	sst s6  }
0xf: {  	[smem:$0x3FB5] =	sst s7  }
0x10: {  	[smem:$0x3FB6] =	sst s8  }
0x11: {  	[smem:$0x3FB7] =	sst s9;
	s0 =	simm.s32 @!p0 $0x0  }
0x12: {  	s1 =	sld [smem:$0x3F9D];
	s0 =	simm.s32 @p0 $0x1  }
0x13: {  	[smem:$0x3FB8] =	sst s0;
	s0 =	simm.s32 @!p1 $0x0  }
0x14: {  	s2 =	sld [smem:$0x3F9C];
	s0 =	simm.s32 @p1 $0x1  }
0x15: {  	[smem:$0x3FB9] =	sst s0;
	s0 =	simm.s32 @!p2 $0x0  }
0x16: {  	s3 =	sld [smem:$0x3FDB];
	s0 =	simm.s32 @p2 $0x1  }
0x17: {  	s4 =	simm.s32 $0x1BF5;
	[smem:$0x3FBB] =	sst s0  }
0x18: {  	s0 =	sld [smem:$0x3F9E];
	_ =	swait.ge [sflag:s4], $0x0  }
0x19: {  	s7 =	sld [smem:$0x3F9F]  }
0x1a: {  	s8 =	sadd.s32 $0xFFFFE003, lr  }
0x1b: {  	s9 =	sadd.s32 $0xFFFFFEF7, lr;
	s5 =	simm.s32 $0xFFFFFFFF;
	p2 =	slt.u32 s8, $0xFFFFF086  }
0x1c: {  	p1 =	slt.u32 s9, $0xF7A;
	s5 =	simm.s32 @!p2 $0x0  }
0x1d: {  	s5 =	simm.s32 @p1 $0x1;
	p0 =	seq.s32 s7, s2  }
0x1e: {  	s7 =	smul.u32 @!p0 $0xF7A, s2;
	p2 =	seq.s32 @!p0 s5, $0x0  }
0x1f: {  	s9 =	smul.u32 $0xF7A, s1;
	s8 =	simm.s32 @!p0 $0x1BF5;
	p2 =	por !p2, p0  }
0x20: {  	[sflag:s8] =	ssyncset.s32 @!p0 $0xFFFFF086;
	s6 =	sadd.s32 @!p0 s3, s7;
	s7 =	simm.s32 @!p0 $0x108  }
0x21: {  	s3 =	sadd.s32 s3, s9;
	s6 =	sadd.s32 @!p0 $0x88, s6;
	s7 =	simm.s32 @p2 $0x1082  }
0x22: {  	[simem:s7], [sflag:s8] =	dma.local @!p0 [hbm:s6], $0xF7A  }
0x23: {  	s9 =	sor.u32 $0xD0000000, s2;
	s6 =	simm.s32 $0x108;
	_ =	swait.ge @!p0 [sflag:s8], $0x0  }
0x24: {  	s3 =	sadd.s32 $0x88, s3;
	s6 =	simm.s32 @!p1 $0x1082;
	[sflag:s4] =	ssyncset.s32 $0xFFFFF086  }
0x25: {  	[simem:s6], [sflag:s4] =	dma.local [hbm:s3], $0xF7A  }
0x26: {  	[smem:$0x3F9F] =	sst s1;
	(tag) =	ssettag s2;
	_ =	strace s9  }
0x27: {  	s1 =	sld [smem:$0x3FAF]  }
0x28: {  	s2 =	sld [smem:$0x3FB0]  }
0x29: {  	s4 =	sld [smem:$0x3FB2]  }
0x2a: {  	p0 =	seq.s32 s5, $0x0;
	s5 =	sld [smem:$0x3FB3]  }
0x2b: {  	s6 =	sld [smem:$0x3FB4]  }
0x2c: {  	s7 =	sld [smem:$0x3FB5]  }
0x2d: {  	s3 =	simm.s32 $0x108;
	s8 =	sld [smem:$0x3FB6]  }
0x2e: {  	s3 =	simm.s32 @!p0 $0x1082;
	s9 =	sld [smem:$0x3FB7]  }
0x2f: {  	lr =	sadd.s32 s0, s3;
	s0 =	sld [smem:$0x3FAE]  }
0x30: {  	s3 =	sld [smem:$0x3FB1]  }
0x31: {  	[smem:$0x3FBA] =	sst s10  }
0x32: {  	s10 =	sld [smem:$0x3FB8];
	_ =	sdelay $0x3  }
0x33: {  	p0 =	seq.s32 s10, $0x1;
	s10 =	sld [smem:$0x3FBA];
	_ =	sdelay $0x3  }
0x34: {  	[smem:$0x3FBA] =	sst s10  }
0x35: {  	s10 =	sld [smem:$0x3FB9];
	_ =	sdelay $0x3  }
0x36: {  	p1 =	seq.s32 s10, $0x1;
	s10 =	sld [smem:$0x3FBA];
	_ =	sdelay $0x3  }
0x37: {  	[smem:$0x3FBA] =	sst s10  }
0x38: {  	s10 =	sld [smem:$0x3FBB]  }
0x39: {  	_ = 	snop;
	(pc) =	sbr.ind lr, $3  }
0x3a: {  	_ = 	snop  }
0x3b: {  	_ = 	snop  }
0x3c: {  	p2 =	seq.s32 s10, $0x1;
	s10 =	sld [smem:$0x3FBA]  }
0x3d: {  	_ =	shalt  }
0x3e: {  	_ =	shalt  }
0x3f: {  	_ =	shalt  }
0x40: {  	_ =	shalt  }
0x41: {  	_ =	shalt  }
0x42: {  	_ =	shalt  }
0x43: {  	_ =	shalt  }
0x44: {  	_ =	shalt  }
0x45: {  	_ =	shalt  }
0x46: {  	_ =	shalt  }
0x47: {  	_ =	shalt  }
0x48: {  	_ =	shalt  }
0x49: {  	_ =	shalt  }
0x4a: {  	_ =	shalt  }
0x4b: {  	_ =	shalt  }
0x4c: {  	_ =	shalt  }
0x4d: {  	_ =	shalt  }
0x4e: {  	_ =	shalt  }
0x4f: {  	_ =	shalt  }
0x50: {  	_ =	shalt  }
0x51: {  	_ =	shalt  }
0x52: {  	_ =	shalt  }
0x53: {  	_ =	shalt  }
0x54: {  	_ =	shalt  }
0x55: {  	_ =	shalt  }
0x56: {  	_ =	shalt  }
0x57: {  	_ =	shalt  }
0x58: {  	_ =	shalt  }
0x59: {  	_ =	shalt  }
0x5a: {  	_ =	shalt  }
0x5b: {  	_ =	shalt  }
0x5c: {  	_ =	shalt  }
0x5d: {  	_ =	shalt  }
0x5e: {  	_ =	shalt  }
0x5f: {  	_ =	shalt  }
0x60: {  	_ =	shalt  }
0x61: {  	_ =	shalt  }
0x62: {  	_ =	shalt  }
0x63: {  	_ =	shalt  }
0x64: {  	_ =	shalt  }
0x65: {  	_ =	shalt  }
0x66: {  	_ =	shalt  }
0x67: {  	_ =	shalt  }
0x68: {  	_ =	shalt  }
0x69: {  	_ =	shalt  }
0x6a: {  	_ =	shalt  }
0x6b: {  	_ =	shalt  }
0x6c: {  	_ =	shalt  }
0x6d: {  	_ =	shalt  }
0x6e: {  	_ =	shalt  }
0x6f: {  	_ =	shalt  }
0x70: {  	_ =	shalt  }
0x71: {  	_ =	shalt  }
0x72: {  	_ =	shalt  }
0x73: {  	_ =	shalt  }
0x74: {  	_ =	shalt  }
0x75: {  	_ =	shalt  }
0x76: {  	_ =	shalt  }
0x77: {  	_ =	shalt  }
0x78: {  	_ =	shalt  }
0x79: {  	_ =	shalt  }
0x7a: {  	_ =	shalt  }
0x7b: {  	_ =	shalt  }
0x7c: {  	_ =	shalt  }
0x7d: {  	_ =	shalt  }
0x7e: {  	_ =	shalt  }
0x7f: {  	_ =	shalt  }
0x80: {  	_ =	shalt  }
0x81: {  	_ =	shalt  }
0x82: {  	_ =	shalt  }
0x83: {  	_ =	shalt  }
0x84: {  	_ =	shalt  }
0x85: {  	_ =	shalt  }
0x86: {  	_ =	shalt  }
0x87: {  	_ =	shalt  }
.Lfunc_end0:
.L_simem_size_0:
called_computation_lowered:
.L_overlay_start_0:
0x88: {  	s2 =	sld [smem:$0x3FD9]  }
0x89: {  	s3 =	sld [smem:$0x3FFE];
	_ =	sdelay $0x1  }
0x8a: {  	s1 =	srdreg.scid  }
0x8b: {  	s0 =	sand.u32 $0x1, s1  }
0x8c: {  	s17 =	sshll.u32 s0, $0xA;
	s2 =	sadd.s32 s3, s2  }
0x8d: {  	s2 =	sadd.s32 s2, s17  }
0x8e: {  	[smem:$0x3FC6] =	sst s2  }
0x8f: {  	_ = 	snop  }
0x90: {  	s2 =	sld [smem:$0x3FD0];
	(tm) =	ssettm $0x1  }
0x91: {  	s18 =	sld [smem:$0x3FFB];
	_ =	sdelay $0x3  }
0x92: {  	_ =	strace s18  }
0x93: {  	s3 =	sld [smem:$0x3FFC];
	_ =	sdelay $0x3  }
0x94: {  	_ =	strace s3  }
0x95: {  	s3 =	sld [smem:$0x3FFD];
	_ =	sdelay $0x3  }
0x96: {  	_ =	strace s3  }
0x97: {  	_ =	strace $0x8FFFFFFF  }
0x98: {  	s19 =	sld [smem:$0x3FDB];
	_ =	sdelay $0x1  }
0x99: {  	s4 =	simm.s32 $_scs_section_size  }
0x9a: {  	s5 =	simm.s32 $_size__tile_overlayer_lowered;
	s6 =	simm.s32 $_tile_overlayer_lowered  }
0x9b: {  	s22 =	simm.s32 $0x1BFF;
	s21 =	sshll.u32 s6, $0x1;
	s3 =	sadd.s32 s4, s19  }
0x9c: {  	s7 =	simm.s32 $0x0;
	s20 =	sshll.u32 s5, $0x1;
	s5 =	sadd.s32 s21, s3  }
0x9d: {  	[timem:s7], [sflag:s22] =	dma.local [hbm:s5], s20  }
0x9e: {  	_ =	swait.ge [sflag:s22], s20  }
0x9f: {  	s4 =	ssub.s32 $0x0, s20;
	[sflag:s22] =	ssyncset.done $0x0  }
0xa0: {  	[sflag:s22] =	ssyncadd.s32 s4;
	_ =	sdelay $0x1  }
0xa1: {  	s23 =	simm.s32 $0x1B8B  }
0xa2: {  	_ =	swait.ge [sflag:s23], $0x1  }
0xa3: {  	[sflag:s23] =	ssyncset.done $0x0  }
0xa4: {  	s25 =	simm.s32 $0x1B8E;
	s24 =	sld [smem:$0x3FFE];
	[sflag:s23] =	ssyncadd.s32 $0xFFFFFFFF  }
0xa5: {  	s26 =	simm.s32 $execute0_lowered;
	[smem:$0x3FD2] =	sst s25  }
0xa6: {  	s5 =	sshll.u32 s26, $0x1;
	_ =	strace $0x80000046;
	[dreg:$0x1] =	wrdreg $0xFFFFFFFF  }
0xa7: {  	s28 =	simm.s32 $_size_execute0_lowered;
	s3 =	sadd.s32 s3, s5;
	[dreg:$0x0] =	wrdreg $0x0  }
0xa8: {  	s5 =	sshll.u32 s28, $0x1;
	[dreg:$0x2] =	wrdreg s3  }
0xa9: {  	[dreg:$0x3] =	wrdreg s5  }
0xaa: {  	[dreg:$0x4] =	wrdreg $0xC0  }
0xab: {  	_ =	task [dreg:s7], $0x5FFFF  }
0xac: {  	[dreg:$0x1] =	wrdreg $0xFFFFFFFF  }
0xad: {  	[dreg:$0x0] =	wrdreg $0x60  }
0xae: {  	[dreg:$0x2] =	wrdreg s2  }
0xaf: {  	[dreg:$0x3] =	wrdreg s24  }
0xb0: {  	[dreg:$0x4] =	wrdreg $0x9  }
0xb1: {  	_ =	task.clear_ibuf [dreg:s7], $0x5FFFF;
	_ =	strace $0x90000046  }
0xb2: {  	s29 =	simm.s32 $0x9;
	_ =	strace $0x80000048  }
0xb3: {  	_ =	swait.ge [sflag:s29], $0x1  }
0xb4: {  	[sflag:s29] =	ssyncadd.s32 $0xFFFFFFFF  }
0xb5: {  	_ =	strace $0x90000048  }
0xb6: {  	_ =	sfence  }
0xb7: {  	s30 =	sld [smem:$0x0];
	_ =	sdelay $0x2  }
0xb8: {  	s31 =	sshll.u32 s1, $0xD;
	s1 =	sshrl.u32 s1, $0x2  }
0xb9: {  	s3 =	sand.u32 $0x4000, s31;
	s1 =	sadd.s32 s1, s30  }
0xba: {  	s0 =	sor.u32 s3, s0;
	s1 =	sshll.u32 s1, $0x11  }
0xbb: {  	s0 =	sor.u32 s1, s0  }
0xbc: {  	s0 =	sadd.s32 $0x8F2B, s0  }
0xbd: {  	[sflag:s0] =	ssyncadd.remote.s32 $0x1  }
0xbe: {  	_ =	sfence.sel $0xFFFF  }
0xbf: {  	[dreg:$0x0] =	wrdreg $0xFFFFFFFF;
	(pc) =	sbr.abs _section_cstart, $3  }
0xc0: {  	[dreg:$0x1] =	wrdreg $0xFFFFFFFF  }
0xc1: {  	_ =	task.clear_ibuf [dreg:s7], $0x2FFFF;
	_ =	strace $0x9FFFFFFF  }
0xc2: {  	(tm) =	ssettm $0x7FFFFFFF  }
0xc3: {  	_ =	shalt  }
tec
execute0_lowered:
.L_overlay_start_1:
0x0: {  	(tag) =	ssettag $0x1  }
0x1: {  	s4 =	rddreg [dreg:$0x0]  }
0x2: {  	s5 =	rddreg [dreg:$0x1];
	s2 =	simm.s32 $0x0  }
0x3: {  	s3 =	srdreg.scid;
	s0 =	stileid.u32;
	s12 =	simm.s32 $0x400  }
0x4: {  	s13 =	simm.s32 $0xB400;
	s14 =	simm.s32 $0x1;
	s15 =	simm.s32 $0x600  }
0x5: {  	s16 =	simm.s32 $0xF400;
	s17 =	simm.s32 $0x20;
	s18 =	simm.s32 $0x80  }
0x6: {  	s19 =	simm.s32 $0x6;
	s20 =	simm.s32 $0x0;
	[smem:$0x7FF] =	sst s2  }
0x7: {  	s6 =	sand.u32 $0x1, s3;
	s7 =	sshll.u32 s0, $0x1;
	s8 =	smul.u32 $0x340000, s0  }
0x8: {  	s3 =	sadd.s32 $0x400, s5;
	s7 =	sor.u32 s6, s7;
	s9 =	smul.u32 $0x1A0000, s6  }
0x9: {  	s10 =	sadd.s32 $0x3E0400, s5;
	s29 =	ssub.s32 $0x2, s6;
	s30 =	smul.u32 $0x680, s7  }
0xa: {  	_ =	strace $0x80000047;
	s11 =	sshrl.u32 s29, $0x1;
	s7 =	smul.u32 $0x1A0000, s7  }
0xb: {  	s8 =	sadd.s32 s9, s8;
	s5 =	ssub.s32 s29, s11;
	s9 =	simm.s32 $0x200  }
0xc: {  	s4 =	sadd.s32 s4, s30;
	s31 =	sor.u32 $0x10000, s8;
	s7 =	sshrl.u32 s7, $0x3  }
0xd: {  	s5 =	smax.u32 s5, $0x1;
	s8 =	sshrl.u32 s31, $0x3;
	s6 =	sadd.s32 s10, s7  }
0xe: {  	s7 =	sadd.s32 s8, s10;
	s8 =	simm.s32 $0x9;
	s10 =	simm.s32 $0x3400  }
.LBB2_1:
0xf: {  	[tilespmem:s2], [sflag:$0x9] =	stream.linear.gather [hbm4b:s4+s2], $0x3400, $0x38;
	[tilespmem:$0x13400] =	vst v63  }
0x10: {  	_ =	swait.ge [sflag:s8], $0x3400  }
0x11: {  	[sflag:s8] =	ssyncset.done $0x0  }
0x12: {  	[sflag:s8] =	ssyncadd.s32 $0xFFFFCC00  }
0x13: {  	[tilespmem:s10], [sflag:$0x1] =	stream.indirect.gather [hbm4b:s3+s9], $0x20, s2, s9, $0xb8;
	[tilespmem:$0x13400] =	vst v63  }
0x14: {  	s0 =	simm.s32 $0x7400  }
0x15: {  	[tilespmem:s0], [sflag:$0x2] =	stream.indirect.gather [hbm4b:s3+s9], $0x20, s9, s9, $0xb8;
	[tilespmem:$0x13400] =	vst v63  }
0x16: {  	_ = 	snop  }
0x17: {  	[tilespmem:s13], [sflag:$0x3] =	stream.indirect.gather [hbm4b:s3+s9], $0x20, s12, s9, $0xb8;
	[tilespmem:$0x13400] =	vst v63  }
0x18: {  	_ =	swait.ge [sflag:s14], $0x4000  }
0x19: {  	s21 =	simm.s32 $0x1;
	[sflag:s14] =	ssyncset.done $0x0  }
0x1a: {  	s24 =	sand.u32 $0x3, s21;
	[sflag:s14] =	ssyncadd.s32 $0xFFFFC000  }
0x1b: {  	[tilespmem:s16], [sflag:$0x4] =	stream.indirect.gather [hbm4b:s3+s9], $0x20, s15, s9, $0xb8;
	[tilespmem:$0x13400] =	vst v63  }
0x1c: {  	s21 =	sadd.s32 $0x1, s24  }
0x1d: {  	[hbm4b:s6+s17] =	stream.strided.scatter [tilespmem:s10], [sflag:$0x5], $0x4000, s18, s17, $0x38;
	[tilespmem:$0x13400] =	vst v63  }
0x1e: {  	s22 =	simm.s32 $0x4;
	s23 =	simm.s32 $0x800;
	_ =	swait.ge [sflag:s21], $0x4000  }
0x1f: {  	p0 =	por $0x0, $0x0;
	s25 =	sand.u32 $0x3, s22;
	[sflag:s21] =	ssyncset.done $0x0  }
0x20: {  	s22 =	simm.s32 $0x5;
	s26 =	sadd.s32 $0x5, s25;
	[sflag:s21] =	ssyncadd.s32 $0xFFFFC000  }
0x21: {  	s29 =	simm.s32 @!p0 $0x200;
	s28 =	sshll.u32 @!p0 s25, $0xE;
	_ =	swait.ge [sflag:s26], $0x4000  }
0x22: {  	s25 =	sadd.s32 @!p0 $0x1, s25;
	s31 =	sshll.u32 s24, $0xE;
	[sflag:s26] =	ssyncset.done $0x0  }
0x23: {  	s21 =	simm.s32 $0x2;
	[sflag:s26] =	ssyncadd.s32 $0xFFFFC000;
	s26 =	sor.u32 @!p0 $0x3400, s28  }
0x24: {  	[tilespmem:s26], [sflag:s25] =	stream.indirect.gather @!p0 [hbm4b:s3+s29], $0x20, s23, s29, $0xb8;
	[tilespmem:$0x13400] =	vst v63  }
0x25: {  	s28 =	sor.u32 $0x3400, s31;
	s25 =	simm.s32 $0x6;
	s23 =	simm.s32 $0xA00  }
0x26: {  	s29 =	sadd.s32 $0x5, s24;
	s24 =	sadd.s32 $0x2000, s7;
	s26 =	smov.u32 s7  }
.LBB2_2:
0x27: {  	[hbm4b:s26+s17] =	stream.strided.scatter [tilespmem:s28], [sflag:s29], $0x4000, s18, s17, $0x38;
	[tilespmem:$0x13400] =	vst v63  }
0x28: {  	s28 =	smov.u32 s21;
	s29 =	smov.u32 s25;
	s30 =	smov.u32 s23  }
0x29: {  	s25 =	sadd.s32 $0x1, s25;
	s21 =	sadd.s32 $0xFFFFFFFD, s29;
	s31 =	sand.u32 $0x3, s28  }
0x2a: {  	p0 =	sne.s32 s25, $0x1D;
	s0 =	sshll.u32 s31, $0xE;
	s1 =	sadd.s32 $0x1, s31  }
0x2b: {  	s26 =	smov.u32 s24;
	_ =	swait.ge [sflag:s1], $0x4000  }
0x2c: {  	s11 =	sand.u32 $0x3, s22;
	s22 =	smov.u32 s29;
	[sflag:s1] =	ssyncset.done $0x0  }
0x2d: {  	s23 =	sadd.s32 $0x200, s23;
	[sflag:s1] =	ssyncadd.s32 $0xFFFFC000;
	s1 =	sadd.s32 $0x5, s11  }
.Ltmp0:
0x2e: {  	p1 =	sgt.u32 s28, $0x16;
	_ =	swait.ge [sflag:s1], $0x4000;
	(pc) =	sbr.rel @p0 .LBB2_2-.Ltmp0, $4  }
0x2f: {  	s28 =	sshll.u32 @!p1 s11, $0xE;
	s29 =	simm.s32 @!p1 $0x200;
	[sflag:s1] =	ssyncset.done $0x0  }
0x30: {  	s11 =	sadd.s32 @!p1 $0x1, s11;
	[sflag:s1] =	ssyncadd.s32 $0xFFFFC000;
	s1 =	sor.u32 @!p1 $0x3400, s28  }
0x31: {  	[tilespmem:s1], [sflag:s11] =	stream.indirect.gather @!p1 [hbm4b:s3+s29], $0x20, s30, s29, $0xb8;
	[tilespmem:$0x13400] =	vst v63  }
0x32: {  	s24 =	sadd.s32 $0x2000, s24;
	s28 =	sor.u32 $0x3400, s0;
	s29 =	sadd.s32 $0x5, s31  }
0x33: {  	[hbm4b:s26+s17] =	stream.strided.scatter [tilespmem:s28], [sflag:s29], $0x4000, s18, s17, $0x38;
	[tilespmem:$0x13400] =	vst v63  }
0x34: {  	s0 =	sand.u32 $0x3, s21  }
0x35: {  	s1 =	sadd.s32 $0x1, s0  }
0x36: {  	_ =	swait.ge [sflag:s1], $0x4000  }
0x37: {  	s11 =	sand.u32 $0x3, s22;
	[sflag:s1] =	ssyncset.done $0x0  }
0x38: {  	s29 =	sadd.s32 $0x5, s11;
	[sflag:s1] =	ssyncadd.s32 $0xFFFFC000  }
0x39: {  	p0 =	sgt.u32 s21, $0x16;
	s20 =	sadd.s32 $0x1, s20;
	_ =	swait.ge [sflag:s29], $0x4000  }
0x3a: {  	s21 =	sshll.u32 @!p0 s11, $0xE;
	s25 =	simm.s32 @!p0 $0x200;
	[sflag:s29] =	ssyncset.done $0x0  }
0x3b: {  	s11 =	sadd.s32 @!p0 $0x1, s11;
	s1 =	sor.u32 @!p0 $0x3400, s21;
	[sflag:s29] =	ssyncadd.s32 $0xFFFFC000  }
0x3c: {  	[tilespmem:s1], [sflag:s11] =	stream.indirect.gather @!p0 [hbm4b:s3+s25], $0x20, s23, s25, $0xb8;
	[tilespmem:$0x13400] =	vst v63  }
0x3d: {  	s30 =	sshll.u32 s0, $0xE;
	p0 =	sne.s32 s20, s5  }
.Ltmp1:
0x3e: {  	s0 =	sadd.s32 $0x5, s0;
	s31 =	sor.u32 $0x3400, s30;
	(pc) =	sbr.rel @p0 .LBB2_1-.Ltmp1, $4  }
0x3f: {  	[hbm4b:s24+s17] =	stream.strided.scatter [tilespmem:s31], [sflag:s0], $0x4000, s18, s17, $0x38;
	[tilespmem:$0x13400] =	vst v63  }
0x40: {  	_ =	swait.ge [sflag:s19], $0x4000  }
0x41: {  	[sflag:s19] =	ssyncset.done $0x0  }
0x42: {  	[sflag:s19] =	ssyncadd.s32 $0xFFFFC000  }
0x43: {  	_ =	sfence.sel $0x180000  }
0x44: {  	[bflag:$0x0] =	sbarrier.arrive $0xFFFF  }
0x45: {  	_ =	strace $0x90000047  }
0x46: {  	s0 =	stileid.u32;
	[bflag:$0x2] =	sbarrier.arrive $0xFFFF  }
0x47: {  	p0 =	sne.s32 s0, $0x0;
	s0 =	rddreg [dreg:$0x2]  }
0x48: {  	s0 =	sadd.s32 @!p0 $0x100000, s0  }
0x49: {  	[sflag:s0] =	ssyncadd.tile.s32 @!p0 $0x1;
	_ =	shalt  }
.Lfunc_end2:
_tile_overlayer_lowered:
.L_overlay_start_2:
0x4a: {  	(tag) =	ssettag $0x2  }
0x4b: {  	s0 =	rddreg [dreg:$0x0];
	s2 =	stileid.u32  }
0x4c: {  	s1 =	rddreg [dreg:$0x1];
	p0 =	sne.s32 s2, $0x0  }
0x4d: {  	s3 =	rddreg [dreg:$0x2];
	[bflag:$0x3] =	sbarrier.arrive $0xFFFF;
	s2 =	simm.s32 @!p0 $0x1C09  }
0x4e: {  	[timem:s3], [sflag:s2] =	dma.local @!p0 [hbm:s0], s1  }
0x4f: {  	s0 =	simm.s32 @!p0 $0x9  }
0x50: {  	_ =	swait.ge @!p0 [sflag:s0], s1  }
0x51: {  	s1 =	ssub.s32 @!p0 $0x0, s1;
	[sflag:s0] =	ssyncset.done @!p0 $0x0  }
0x52: {  	[sflag:s0] =	ssyncadd.s32 @!p0 s1  }
0x53: {  	[bflag:$0x3] =	sbarrier.arrive $0xFFFF  }
0x54: {  	_ =	shalt  }

</sc_bundles>
